<compile_context>
chip_gen: v7x
topology: tpu7x:2x2x1
jax: 0.10.2.dev20260603
libtpu: 0.0.44.dev20260713+nightly
codegen_flags: <defaults>
</compile_context>

<pallas_src>
import jax
import jax.numpy as jnp
from jax.experimental import pallas as pl

_NUM_RAYS = 1024
_NUM_LIGHTS = 32
_BATCH = 4096
_NB = 512


def _light_kernel(idx_ref, pt_ref, ld_ref, li_ref):
    idxv = idx_ref[...]
    lanes = jax.lax.broadcasted_iota(jnp.int32, (_NB, _NUM_LIGHTS), 1)
    oh = (lanes == idxv).astype(jnp.float32)
    pt = pt_ref[...]
    x = jnp.sum(oh * pt[0:1, :], axis=1, keepdims=True)
    y = jnp.sum(oh * pt[1:2, :], axis=1, keepdims=True)
    z = -jnp.abs(jnp.sum(oh * pt[2:3, :], axis=1, keepdims=True))
    inten = jnp.abs(jnp.sum(oh * pt[3:4, :], axis=1, keepdims=True))
    n = jnp.sqrt(x * x + y * y + z * z)
    inv = 1.0 / jnp.maximum(n, 1e-12)
    shape = (_NB, _NUM_RAYS)
    ld_ref[0] = jnp.broadcast_to(x * inv, shape)
    ld_ref[1] = jnp.broadcast_to(y * inv, shape)
    ld_ref[2] = jnp.broadcast_to(z * inv, shape)
    li_ref[...] = jnp.broadcast_to(inten, shape)


def kernel(idx, light_direction_xy, light_direction_z, light_intensity):
    params_t = jnp.concatenate(
        [light_direction_xy, light_direction_z, light_intensity], axis=1
    ).T
    idx2 = idx.reshape(_BATCH, 1)
    grid = _BATCH // _NB

    p_ld, p_li = pl.pallas_call(
        _light_kernel,
        grid=(grid,),
        in_specs=[
            pl.BlockSpec((_NB, 1), lambda i: (i, 0)),
            pl.BlockSpec((4, _NUM_LIGHTS), lambda i: (0, 0)),
        ],
        out_specs=[
            pl.BlockSpec((3, _NB, _NUM_RAYS), lambda i: (0, i, 0)),
            pl.BlockSpec((_NB, _NUM_RAYS), lambda i: (i, 0)),
        ],
        out_shape=[
            jax.ShapeDtypeStruct((3, _BATCH, _NUM_RAYS), jnp.float32),
            jax.ShapeDtypeStruct((_BATCH, _NUM_RAYS), jnp.float32),
        ],
    )(idx2, params_t)

    out_ld = p_ld.transpose(1, 2, 0).reshape(-1, 3)
    out_li = jnp.broadcast_to(
        p_li.reshape(_BATCH * _NUM_RAYS, 1), (_BATCH * _NUM_RAYS, 3)
    )
    return (out_ld, out_li)

# --- scband reference (transcript-rebuilt; emitter-appended) ---
"""Pipeline reference for scband-light-model-30863634989303 (READ-ONLY COPY).

The authoritative reference and input builder live on the scoring server;
editing this copy changes nothing except your own understanding.
"""

import jax, jax.numpy as jnp
import numpy as np

NUM_RAYS = 1024
NUM_LIGHTS = 32
BATCH = 4096


def setup_inputs(seed: int = 0) -> dict:
    key = jax.random.key(seed)
    k1, k2, k3, k4 = jax.random.split(key, 4)
    idx = jax.random.randint(k1, (BATCH,), 0, NUM_LIGHTS, dtype=jnp.int32)
    light_direction_xy = jax.random.normal(k2, (NUM_LIGHTS, 2), dtype=jnp.float32)
    light_direction_z = jax.random.normal(k3, (NUM_LIGHTS, 1), dtype=jnp.float32)
    light_intensity = jax.random.uniform(k4, (NUM_LIGHTS, 1), dtype=jnp.float32) + 0.5
    return {
        "idx": idx,
        "light_direction_xy": light_direction_xy,
        "light_direction_z": light_direction_z,
        "light_intensity": light_intensity,
    }


def reference(idx, light_direction_xy, light_direction_z, light_intensity):
    num_rays = NUM_RAYS
    # gather per-index light params (embedding-style lookup)
    ld_xy = jnp.take(light_direction_xy, idx, axis=0)          # [B, 2]
    ld_z = -jnp.abs(jnp.take(light_direction_z, idx, axis=0))  # [B, 1]
    out_ld = jnp.concatenate([ld_xy, ld_z], axis=-1)           # [B, 3]
    # F.normalize(p=2, dim=-1, eps=1e-12)
    n = jnp.linalg.norm(out_ld, ord=2, axis=-1, keepdims=True)
    out_ld = out_ld / jnp.maximum(n, 1e-12)
    B = out_ld.shape[0]
    out_ld = jnp.broadcast_to(out_ld[:, None, :], (B, num_rays, 3)).reshape(-1, 3)
    out_li = jnp.abs(jnp.take(light_intensity, idx, axis=0))[:, None, :]  # [B, 1, 1]
    out_li = jnp.broadcast_to(out_li, (B, num_rays, 3)).reshape(-1, 3)
    return (out_ld, out_li)

if __name__ == "__main__":
    import jax
    _d = setup_inputs()
    print(jax.jit(kernel)(*tuple(_d.values())))

</pallas_src>

<mosaic_0001>
module attributes {stable_mosaic.version = 14 : i64} {
  func.func @_light_kernel(%arg0: i32, %arg1: memref<512x1xi32, #tpu.memory_space<vmem>>, %arg2: memref<4x32xf32, #tpu.memory_space<vmem>>, %arg3: memref<3x512x1024xf32, #tpu.memory_space<vmem>>, %arg4: memref<512x1024xf32, #tpu.memory_space<vmem>>) attributes {dimension_semantics = [#tpu.dimension_semantics<arbitrary>], iteration_bounds = array<i64: 8>, scalar_prefetch = 0 : i64, scratch_operands = 0 : i64, tpu.core_type = #tpu.core_type<tc>, window_params = [{transform_indices = @transform_0, window_bounds = array<i64: 512, 1>}, {pipeline_mode = #tpu.pipeline_mode<synchronous>, transform_indices = @transform_1, window_bounds = array<i64: 4, 32>}, {transform_indices = @transform_2, window_bounds = array<i64: 3, 512, 1024>}, {transform_indices = @transform_3, window_bounds = array<i64: 512, 1024>}]} {
    %get3A = arith.constant 0 : index
    %get3A_0 = arith.constant 0 : index
    %get3A_1 = vector.load %arg1[%get3A, %get3A_0] : memref<512x1xi32, #tpu.memory_space<vmem>>, vector<512x1xi32>
    %iota3A = tpu.iota {dimensions = array<i32: 1>} : vector<512x32xi32>
    %eq3A = vector.broadcast %get3A_1 : vector<512x1xi32> to vector<512x32xi32>
    %eq3A_2 = arith.cmpi eq, %iota3A, %eq3A : vector<512x32xi32>
    %convert_element_type3A = arith.extui %eq3A_2 : vector<512x32xi1> to vector<512x32xi32>
    %convert_element_type3A_3 = arith.sitofp %convert_element_type3A : vector<512x32xi32> to vector<512x32xf32>
    %get3A_4 = arith.constant 0 : index
    %get3A_5 = arith.constant 0 : index
    %get3A_6 = vector.load %arg2[%get3A_4, %get3A_5] : memref<4x32xf32, #tpu.memory_space<vmem>>, vector<4x32xf32>
    %slice3A = vector.extract_strided_slice %get3A_6 {offsets = [0, 0], sizes = [1, 32], strides = [1, 1]} : vector<4x32xf32> to vector<1x32xf32>
    %mul3A = vector.broadcast %slice3A : vector<1x32xf32> to vector<512x32xf32>
    %mul3A_7 = arith.mulf %convert_element_type3A_3, %mul3A : vector<512x32xf32>
    %reduce_sum3A = arith.constant dense<0.000000e+00> : vector<512xf32>
    %reduce_sum3A_8 = vector.multi_reduction <add>, %mul3A_7, %reduce_sum3A [1] : vector<512x32xf32> to vector<512xf32>
    %broadcast_in_dim3A = vector.shape_cast %reduce_sum3A_8 : vector<512xf32> to vector<512x1xf32>
    %slice3A_9 = vector.extract_strided_slice %get3A_6 {offsets = [1, 0], sizes = [1, 32], strides = [1, 1]} : vector<4x32xf32> to vector<1x32xf32>
    %mul3A_10 = vector.broadcast %slice3A_9 : vector<1x32xf32> to vector<512x32xf32>
    %mul3A_11 = arith.mulf %convert_element_type3A_3, %mul3A_10 : vector<512x32xf32>
    %reduce_sum3A_12 = arith.constant dense<0.000000e+00> : vector<512xf32>
    %reduce_sum3A_13 = vector.multi_reduction <add>, %mul3A_11, %reduce_sum3A_12 [1] : vector<512x32xf32> to vector<512xf32>
    %broadcast_in_dim3A_14 = vector.shape_cast %reduce_sum3A_13 : vector<512xf32> to vector<512x1xf32>
    %slice3A_15 = vector.extract_strided_slice %get3A_6 {offsets = [2, 0], sizes = [1, 32], strides = [1, 1]} : vector<4x32xf32> to vector<1x32xf32>
    %mul3A_16 = vector.broadcast %slice3A_15 : vector<1x32xf32> to vector<512x32xf32>
    %mul3A_17 = arith.mulf %convert_element_type3A_3, %mul3A_16 : vector<512x32xf32>
    %reduce_sum3A_18 = arith.constant dense<0.000000e+00> : vector<512xf32>
    %reduce_sum3A_19 = vector.multi_reduction <add>, %mul3A_17, %reduce_sum3A_18 [1] : vector<512x32xf32> to vector<512xf32>
    %broadcast_in_dim3A_20 = vector.shape_cast %reduce_sum3A_19 : vector<512xf32> to vector<512x1xf32>
    %abs3A = math.absf %broadcast_in_dim3A_20 : vector<512x1xf32>
    %neg3A = arith.constant 0.000000e+00 : f32
    %neg3A_21 = vector.broadcast %neg3A : f32 to vector<512x1xf32>
    %neg3A_22 = arith.subf %neg3A_21, %abs3A : vector<512x1xf32>
    %slice3A_23 = vector.extract_strided_slice %get3A_6 {offsets = [3, 0], sizes = [1, 32], strides = [1, 1]} : vector<4x32xf32> to vector<1x32xf32>
    %mul3A_24 = vector.broadcast %slice3A_23 : vector<1x32xf32> to vector<512x32xf32>
    %mul3A_25 = arith.mulf %convert_element_type3A_3, %mul3A_24 : vector<512x32xf32>
    %reduce_sum3A_26 = arith.constant dense<0.000000e+00> : vector<512xf32>
    %reduce_sum3A_27 = vector.multi_reduction <add>, %mul3A_25, %reduce_sum3A_26 [1] : vector<512x32xf32> to vector<512xf32>
    %broadcast_in_dim3A_28 = vector.shape_cast %reduce_sum3A_27 : vector<512xf32> to vector<512x1xf32>
    %abs3A_29 = math.absf %broadcast_in_dim3A_28 : vector<512x1xf32>
    %mul3A_30 = arith.mulf %broadcast_in_dim3A, %broadcast_in_dim3A : vector<512x1xf32>
    %mul3A_31 = arith.mulf %broadcast_in_dim3A_14, %broadcast_in_dim3A_14 : vector<512x1xf32>
    %add3A = arith.addf %mul3A_30, %mul3A_31 : vector<512x1xf32>
    %mul3A_32 = arith.mulf %neg3A_22, %neg3A_22 : vector<512x1xf32>
    %add3A_33 = arith.addf %add3A, %mul3A_32 : vector<512x1xf32>
    %sqrt3A = math.sqrt %add3A_33 : vector<512x1xf32>
    %max3A = arith.constant 9.99999996E-13 : f32
    %max3A_34 = vector.broadcast %max3A : f32 to vector<512x1xf32>
    %max3A_35 = arith.maximumf %sqrt3A, %max3A_34 : vector<512x1xf32>
    %div3A = arith.constant 1.000000e+00 : f32
    %div3A_36 = vector.broadcast %div3A : f32 to vector<512x1xf32>
    %div3A_37 = arith.divf %div3A_36, %max3A_35 : vector<512x1xf32>
    %mul3A_38 = arith.mulf %broadcast_in_dim3A, %div3A_37 : vector<512x1xf32>
    %broadcast_in_dim3A_39 = vector.shape_cast %mul3A_38 : vector<512x1xf32> to vector<512x1xf32>
    %broadcast_in_dim3A_40 = vector.broadcast %broadcast_in_dim3A_39 : vector<512x1xf32> to vector<512x1024xf32>
    %swap3A = arith.constant 0 : index
    %swap3A_41 = arith.constant 0 : index
    %swap3A_42 = arith.constant 0 : index
    %swap3A_43 = vector.load %arg3[%swap3A, %swap3A_41, %swap3A_42] : memref<3x512x1024xf32, #tpu.memory_space<vmem>>, vector<1x512x1024xf32>
    %swap3A_44 = vector.shape_cast %swap3A_43 : vector<1x512x1024xf32> to vector<512x1024xf32>
    %swap3A_45 = vector.shape_cast %broadcast_in_dim3A_40 : vector<512x1024xf32> to vector<1x512x1024xf32>
    tpu.vector_store %arg3[%swap3A, %swap3A_41, %swap3A_42], %swap3A_45 {strides = array<i32>} : memref<3x512x1024xf32, #tpu.memory_space<vmem>>, vector<1x512x1024xf32>,
    %mul3A_46 = arith.mulf %broadcast_in_dim3A_14, %div3A_37 : vector<512x1xf32>
    %broadcast_in_dim3A_47 = vector.shape_cast %mul3A_46 : vector<512x1xf32> to vector<512x1xf32>
    %broadcast_in_dim3A_48 = vector.broadcast %broadcast_in_dim3A_47 : vector<512x1xf32> to vector<512x1024xf32>
    %swap3A_49 = arith.constant 1 : index
    %swap3A_50 = arith.constant 0 : index
    %swap3A_51 = arith.constant 0 : index
    %swap3A_52 = vector.load %arg3[%swap3A_49, %swap3A_50, %swap3A_51] : memref<3x512x1024xf32, #tpu.memory_space<vmem>>, vector<1x512x1024xf32>
    %swap3A_53 = vector.shape_cast %swap3A_52 : vector<1x512x1024xf32> to vector<512x1024xf32>
    %swap3A_54 = vector.shape_cast %broadcast_in_dim3A_48 : vector<512x1024xf32> to vector<1x512x1024xf32>
    tpu.vector_store %arg3[%swap3A_49, %swap3A_50, %swap3A_51], %swap3A_54 {strides = array<i32>} : memref<3x512x1024xf32, #tpu.memory_space<vmem>>, vector<1x512x1024xf32>,
    %mul3A_55 = arith.mulf %neg3A_22, %div3A_37 : vector<512x1xf32>
    %broadcast_in_dim3A_56 = vector.shape_cast %mul3A_55 : vector<512x1xf32> to vector<512x1xf32>
    %broadcast_in_dim3A_57 = vector.broadcast %broadcast_in_dim3A_56 : vector<512x1xf32> to vector<512x1024xf32>
    %swap3A_58 = arith.constant 2 : index
    %swap3A_59 = arith.constant 0 : index
    %swap3A_60 = arith.constant 0 : index
    %swap3A_61 = vector.load %arg3[%swap3A_58, %swap3A_59, %swap3A_60] : memref<3x512x1024xf32, #tpu.memory_space<vmem>>, vector<1x512x1024xf32>
    %swap3A_62 = vector.shape_cast %swap3A_61 : vector<1x512x1024xf32> to vector<512x1024xf32>
    %swap3A_63 = vector.shape_cast %broadcast_in_dim3A_57 : vector<512x1024xf32> to vector<1x512x1024xf32>
    tpu.vector_store %arg3[%swap3A_58, %swap3A_59, %swap3A_60], %swap3A_63 {strides = array<i32>} : memref<3x512x1024xf32, #tpu.memory_space<vmem>>, vector<1x512x1024xf32>,
    %broadcast_in_dim3A_64 = vector.shape_cast %abs3A_29 : vector<512x1xf32> to vector<512x1xf32>
    %broadcast_in_dim3A_65 = vector.broadcast %broadcast_in_dim3A_64 : vector<512x1xf32> to vector<512x1024xf32>
    %swap3A_66 = arith.constant 0 : index
    %swap3A_67 = arith.constant 0 : index
    %swap3A_68 = vector.load %arg4[%swap3A_66, %swap3A_67] : memref<512x1024xf32, #tpu.memory_space<vmem>>, vector<512x1024xf32>
    tpu.vector_store %arg4[%swap3A_66, %swap3A_67], %broadcast_in_dim3A_65 {strides = array<i32>} : memref<512x1024xf32, #tpu.memory_space<vmem>>, vector<512x1024xf32>,
    return
  }
  func.func @transform_0(%arg0: i32) -> (i32, i32) {
    %c0_i32 = arith.constant 0 : i32
    %c0_i32_0 = arith.constant 0 : i32
    return %arg0, %c0_i32 : i32, i32
  }
  func.func @transform_1(%arg0: i32) -> (i32, i32) {
    %c0_i32 = arith.constant 0 : i32
    %c0_i32_0 = arith.constant 0 : i32
    %c0_i32_1 = arith.constant 0 : i32
    return %c0_i32, %c0_i32_0 : i32, i32
  }
  func.func @transform_2(%arg0: i32) -> (i32, i32, i32) {
    %c0_i32 = arith.constant 0 : i32
    %c0_i32_0 = arith.constant 0 : i32
    %c0_i32_1 = arith.constant 0 : i32
    return %c0_i32, %arg0, %c0_i32_0 : i32, i32, i32
  }
  func.func @transform_3(%arg0: i32) -> (i32, i32) {
    %c0_i32 = arith.constant 0 : i32
    %c0_i32_0 = arith.constant 0 : i32
    return %arg0, %c0_i32 : i32, i32
  }
}

</mosaic_0001>

<sc_bundles>
// kernel: sparse-core-data-format-call.cloned.1.call-start
scs
called_computation_lowered:
.L_overlay_start_0:
0x0: {  	s2 =	sld [smem:$0x3FD9]  }
0x1: {  	s3 =	sld [smem:$0x3FFE];
	_ =	sdelay $0x1  }
0x2: {  	s1 =	srdreg.scid  }
0x3: {  	s0 =	sand.u32 $0x1, s1  }
0x4: {  	s16 =	sshll.u32 s0, $0xA;
	s2 =	sadd.s32 s3, s2  }
0x5: {  	s2 =	sadd.s32 s2, s16  }
0x6: {  	[smem:$0x3FC4] =	sst s2  }
0x7: {  	_ = 	snop  }
0x8: {  	s2 =	sld [smem:$0x3FD0];
	_ =	sdelay $0x2  }
0x9: {  	s17 =	simm.s32 $0xA;
	s4 =	simm.s32 $0x10  }
0xa: {  	[smem:s4], [sflag:s17] =	dma.local [hbm:s2], $0x1  }
0xb: {  	_ =	swait.eq [sflag:s17], $0x1  }
0xc: {  	[sflag:s17] =	ssyncset.done $0x0  }
0xd: {  	s18 =	sld [smem:$0x10];
	[sflag:s17] =	ssyncadd.s32 $0xFFFFFFFF  }
0xe: {  	s19 =	sld [smem:$0x11];
	(tm) =	ssettm $0x1  }
0xf: {  	s20 =	sld [smem:$0x3FFB];
	_ =	sdelay $0x3  }
0x10: {  	_ =	strace s20  }
0x11: {  	s4 =	sld [smem:$0x3FFC];
	_ =	sdelay $0x3  }
0x12: {  	_ =	strace s4  }
0x13: {  	s4 =	sld [smem:$0x3FFD];
	_ =	sdelay $0x3  }
0x14: {  	_ =	strace s4  }
0x15: {  	_ =	strace $0x8FFFFFFF  }
0x16: {  	s21 =	sld [smem:$0x3FDB];
	_ =	sdelay $0x1  }
0x17: {  	s5 =	simm.s32 $_scs_section_size  }
0x18: {  	s6 =	simm.s32 $_size__tile_overlayer_lowered;
	s7 =	simm.s32 $_tile_overlayer_lowered  }
0x19: {  	s24 =	simm.s32 $0x1BFF;
	s23 =	sshll.u32 s7, $0x1;
	s4 =	sadd.s32 s5, s21  }
0x1a: {  	s8 =	simm.s32 $0x0;
	s22 =	sshll.u32 s6, $0x1;
	s6 =	sadd.s32 s23, s4  }
0x1b: {  	[timem:s8], [sflag:s24] =	dma.local [hbm:s6], s22  }
0x1c: {  	_ =	swait.ge [sflag:s24], s22  }
0x1d: {  	s5 =	ssub.s32 $0x0, s22;
	[sflag:s24] =	ssyncset.done $0x0  }
0x1e: {  	[sflag:s24] =	ssyncadd.s32 s5;
	_ =	sdelay $0x1  }
0x1f: {  	s25 =	simm.s32 $0x1B8B  }
0x20: {  	_ =	swait.ge [sflag:s25], $0x1  }
0x21: {  	[sflag:s25] =	ssyncset.done $0x0  }
0x22: {  	s26 =	simm.s32 $0x1B8E;
	[sflag:s25] =	ssyncadd.s32 $0xFFFFFFFF  }
0x23: {  	s27 =	simm.s32 $execute0_lowered;
	[smem:$0x3FD2] =	sst s26  }
0x24: {  	s5 =	sshll.u32 s27, $0x1;
	_ =	strace $0x80000046;
	[dreg:$0x1] =	wrdreg $0xFFFFFFFF  }
0x25: {  	s28 =	simm.s32 $_size_execute0_lowered;
	s4 =	sadd.s32 s4, s5;
	[dreg:$0x0] =	wrdreg $0x0  }
0x26: {  	s5 =	sshll.u32 s28, $0x1;
	[dreg:$0x2] =	wrdreg s4  }
0x27: {  	[dreg:$0x3] =	wrdreg s5  }
0x28: {  	[dreg:$0x4] =	wrdreg $0xC0  }
0x29: {  	_ =	task [dreg:s8], $0x5FFFF  }
0x2a: {  	[dreg:$0x1] =	wrdreg $0xFFFFFFFF  }
0x2b: {  	[dreg:$0x0] =	wrdreg $0x60  }
0x2c: {  	[dreg:$0x2] =	wrdreg s19  }
0x2d: {  	[dreg:$0x3] =	wrdreg s18  }
0x2e: {  	[dreg:$0x4] =	wrdreg $0x9  }
0x2f: {  	_ =	task.clear_ibuf [dreg:s8], $0x5FFFF;
	_ =	strace $0x90000046  }
0x30: {  	s29 =	simm.s32 $0x9;
	_ =	strace $0x80000048  }
0x31: {  	_ =	swait.ge [sflag:s29], $0x1  }
0x32: {  	[sflag:s29] =	ssyncadd.s32 $0xFFFFFFFF  }
0x33: {  	_ =	strace $0x90000048  }
0x34: {  	_ =	sfence  }
0x35: {  	s30 =	sld [smem:$0x0];
	_ =	sdelay $0x2  }
0x36: {  	s31 =	sshll.u32 s1, $0xD;
	s1 =	sshrl.u32 s1, $0x2  }
0x37: {  	s3 =	sand.u32 $0x4000, s31;
	s1 =	sadd.s32 s1, s30  }
0x38: {  	s0 =	sor.u32 s3, s0;
	s1 =	sshll.u32 s1, $0x11  }
0x39: {  	s0 =	sor.u32 s1, s0  }
0x3a: {  	s0 =	sadd.s32 $0x8F2B, s0  }
0x3b: {  	[sflag:s0] =	ssyncadd.remote.s32 $0x1  }
0x3c: {  	_ =	sfence.sel $0xFFFF  }
0x3d: {  	[dreg:$0x0] =	wrdreg $0xFFFFFFFF;
	(pc) =	sbr.abs _section_cstart, $3  }
0x3e: {  	[dreg:$0x1] =	wrdreg $0xFFFFFFFF  }
0x3f: {  	_ =	task.clear_ibuf [dreg:s8], $0x2FFFF;
	_ =	strace $0x9FFFFFFF  }
0x40: {  	(tm) =	ssettm $0x7FFFFFFF  }
0x41: {  	_ =	shalt  }
tec
execute0_lowered:
.L_overlay_start_1:
0x0: {  	(tag) =	ssettag $0x1  }
0x1: {  	s0 =	srdreg.scid  }
0x2: {  	s1 =	sshll.u32 s0, $0x4  }
0x3: {  	s0 =	stileid.u32;
	s1 =	sand.u32 $0x10, s1  }
0x4: {  	s3 =	rddreg [dreg:$0x0];
	s1 =	sor.u32 s0, s1  }
0x5: {  	s4 =	rddreg [dreg:$0x1];
	s6 =	simm.s32 $0x1;
	s2 =	sshll.u32 s1, $0x7  }
0x6: {  	s31 =	simm.s32 $0x2;
	s14 =	simm.s32 $0x0;
	s5 =	ssub.s32 $0x1000, s2  }
0x7: {  	s8 =	simm.s32 $0x1000;
	s9 =	simm.s32 $0x0;
	s30 =	sand.u32 $0xF80, s5  }
0x8: {  	s15 =	simm.s32 $0x0;
	s16 =	simm.s32 $0x0;
	p0 =	sne.s32 s30, $0x0  }
.Ltmp0:
0x9: {  	s7 =	sshrl.u32 s5, $0xC;
	s6 =	simm.s32 @!p0 $0x0;
	(pc) =	sbr.rel .LBB1_1-.Ltmp0, $4  }
0xa: {  	s10 =	simm.s32 $0x0;
	s1 =	rddreg [dreg:$0x2];
	s6 =	sadd.s32 s6, s7  }
0xb: {  	_ =	strace $0x80000047;
	s5 =	simm.s32 $0x1;
	s6 =	smul.u32 $0x18, s6  }
0xc: {  	s12 =	simm.s32 $0x0;
	s13 =	simm.s32 $0x0;
	[sflag:s5] =	ssyncpa.u1 $0x0  }
0xd: {  	s11 =	smov.u32 s2;
	[sflag:s31] =	ssyncpa.u1 $0x0;
	s7 =	sor.u32 $0x1, s6  }
.LBB1_4:
0xe: {  	_ =	sdelay $0x3  }
0xf: {  	[tilespmem:v0+s19+$0xFFFFFFA0 ss:$0x1] =	vst.idx.msk $0xffff, v6  }
0x10: {  	v56 =	vld.idx.msk [tilespmem:v1+s18+$0x30 ss:$0x1], $0xffff;
	[tilespmem:v0+s19+$0xFFFFFFB0 ss:$0x1] =	vst.idx.msk $0xffff, v4  }
0x11: {  	v57 =	vld.idx.msk [tilespmem:v1+s18+$0xFFFFFFC0 ss:$0x1], $0xffff;
	[tilespmem:v0+s19+$0xFFFFFFC0 ss:$0x1] =	vst.idx.msk $0xffff, v2  }
0x12: {  	v58 =	vld.idx.msk [tilespmem:v1+s18+$0xFFFFFFD0 ss:$0x1], $0xffff;
	[tilespmem:v0+s19+$0xFFFFFFD0 ss:$0x1] =	vst.idx.msk $0xffff, v3  }
0x13: {  	v59 =	vld.idx.msk [tilespmem:v1+s18+$0xFFFFFFE0 ss:$0x1], $0xffff;
	[tilespmem:v0+s19+$0xFFFFFFE0 ss:$0x1] =	vst.idx.msk $0xffff, v5  }
0x14: {  	v60 =	vld.idx.msk [tilespmem:v1+s18+$0xFFFFFFF0 ss:$0x1], $0xffff;
	[tilespmem:v0+s19+$0xFFFFFFF0 ss:$0x1] =	vst.idx.msk $0xffff, v7  }
0x15: {  	v61 =	vld.idx.msk [tilespmem:v1+s18+$0x0 ss:$0x1], $0xffff;
	[tilespmem:v0+s18+$0x0 ss:$0x1] =	vst.idx.msk $0xffff, v56  }
0x16: {  	v62 =	vld.idx.msk [tilespmem:v1+s18+$0x10 ss:$0x1], $0xffff;
	[tilespmem:v0+s18+$0xFFFFFF90 ss:$0x1] =	vst.idx.msk $0xffff, v57  }
0x17: {  	s16 =	sshll.u32 s16, $0x7;
	v63 =	vld.idx.msk [tilespmem:v1+s18+$0x20 ss:$0x1], $0xffff;
	s28 =	sand.u32 $0x78, s14;
	s20 =	sshll.u32 s14, $0x2;
	[tilespmem:v0+s18+$0xFFFFFFA0 ss:$0x1] =	vst.idx.msk $0xffff, v58  }
0x18: {  	s15 =	sshll.u32 s15, $0x9;
	s30 =	sshrl.u32 s14, $0x1;
	s16 =	sand.u32 $0x180, s16;
	[tilespmem:v0+s18+$0xFFFFFFB0 ss:$0x1] =	vst.idx.msk $0xffff, v59  }
0x19: {  	s31 =	sand.u32 $0x7, s14;
	s29 =	sand.u32 $0x200, s20;
	s16 =	sor.u32 s16, s28;
	[tilespmem:v0+s18+$0xFFFFFFC0 ss:$0x1] =	vst.idx.msk $0xffff, v60  }
0x1a: {  	s19 =	sand.u32 $0x180, s30;
	s15 =	sadd.s32 s4, s15;
	s16 =	sor.u32 s29, s16;
	[tilespmem:v0+s18+$0xFFFFFFD0 ss:$0x1] =	vst.idx.msk $0xffff, v61  }
0x1b: {  	s14 =	sshll.u32 s31, $0x12;
	s15 =	sadd.s32 s19, s15;
	s16 =	sshrl.u32 s16, $0x3;
	[tilespmem:v0+s18+$0xFFFFFFE0 ss:$0x1] =	vst.idx.msk $0xffff, v62  }
0x1c: {  	s14 =	sor.u32 $0x80, s14;
	[tilespmem:v0+s18+$0xFFFFFFF0 ss:$0x1] =	vst.idx.msk $0xffff, v63;
	s15 =	sadd.s32 s16, s15  }
0x1d: {  	[hbm4b:s15+s14] =	stream.strided.scatter [tilespmem:s17], [sflag:$0x2], $0x4000, s8, s14, $0x38;
	[tilespmem:$0x10000] =	vst v63  }
.LBB1_5:
0x1e: {  	s17 =	sadd.s32 $0x80, s10  }
0x1f: {  	s14 =	sadd.s32 $0x1000, s11;
	s18 =	smov.u32 s11;
	p1 =	sgt.s32 s17, $0x3FF  }
0x20: {  	s18 =	smov.u32 @p1 s14  }
0x21: {  	s14 =	simm.s32 $0x1;
	p2 =	sgt.s32 s18, $0xFFF  }
0x22: {  	s14 =	simm.s32 @!p2 $0x0  }
0x23: {  	s20 =	sadd.s32 s14, s12  }
0x24: {  	s17 =	simm.s32 @p1 $0x0;
	p1 =	sgt.s32 s20, $0x2  }
0x25: {  	p0 =	slt.u32 s13, $0x2;
	s20 =	simm.s32 @p1 $0x0;
	p1 =	sne.s32 s13, s7  }
.Ltmp1:
0x26: {  	s19 =	simm.s32 @!p0 $0x2;
	(pc) =	sbr.rel @!p1 .LBB1_6-.Ltmp1, $4  }
0x27: {  	s15 =	smov.u32 s11;
	s16 =	smov.u32 s12;
	_ =	swait.ge @!p0 [sflag:s19], $0x4000  }
0x28: {  	s9 =	sadd.s32 $0x4000, s9;
	[sflag:s19] =	ssyncset.done @!p0 $0x0;
	s18 =	smov.u32 @p2 s2  }
0x29: {  	[sflag:s19] =	ssyncadd.s32 @!p0 $0xFFFFC000;
	s14 =	smov.u32 s10;
	s10 =	smov.u32 s17  }
0x2a: {  	s11 =	smov.u32 s18;
	s13 =	sadd.s32 $0x1, s13;
	s12 =	smov.u32 s20  }
.LBB1_1:
0x2b: {  	p0 =	sge.u32 s13, s6  }
0x2c: {  	s31 =	sadd.s32 $0xFFFFFFFF, s13;
	s17 =	sshll.u32 @!p0 s11, $0x7  }
0x2d: {  	s18 =	sxor.u32 @!p0 $0xFFFFFFFF, s13;
	s19 =	sand.u32 @!p0 $0x78, s10;
	s20 =	sand.u32 @!p0 $0x380, s17  }
0x2e: {  	s18 =	sshll.u32 @!p0 s18, $0xE;
	s19 =	sor.u32 @!p0 s19, s20;
	s20 =	sshll.u32 @!p0 s12, $0x13  }
0x2f: {  	s17 =	sand.u32 @!p0 $0x7FC00, s17;
	s19 =	sshrl.u32 @!p0 s19, $0x3;
	s20 =	sadd.s32 @!p0 s3, s20  }
0x30: {  	s17 =	sadd.s32 @!p0 s10, s17;
	s19 =	sadd.s32 @!p0 s19, s20;
	s20 =	sand.u32 @!p0 $0x7, s10  }
0x31: {  	s18 =	sand.u32 @!p0 $0x4000, s18;
	s17 =	sand.u32 @!p0 $0x7FF80, s17;
	s20 =	sshll.u32 @!p0 s20, $0x12  }
0x32: {  	s17 =	sadd.s32 @!p0 s17, s19;
	s19 =	sor.u32 @!p0 $0x400, s20;
	s20 =	simm.s32 @!p0 $0x2000  }
0x33: {  	[tilespmem:s18], [sflag:$0x1] =	stream.strided.gather @!p0 [hbm4b:s17+s19], $0x4000, s20, s19, $0x38;
	[tilespmem:$0x10000] =	vst v63  }
0x34: {  	p0 =	sge.u32 s31, s6  }
.Ltmp2:
0x35: {  	_ = 	snop;
	(pc) =	sbr.rel @p0 .LBB1_5-.Ltmp2, $1  }
0x36: {  	_ =	sdelay $0x3  }
0x37: {  	s17 =	sand.u32 $0x4000, s9  }
0x38: {  	s18 =	sor.u32 $0x40, s17  }
0x39: {  	v1 =	vmov s18;
	_ =	sdelay $0x1  }
0x3a: {  	_ =	swait.ge [sflag:s5], $0x4000  }
0x3b: {  	[sflag:s5] =	ssyncset.done $0x0  }
0x3c: {  	s19 =	simm.s32 $0x0;
	[sflag:s5] =	ssyncadd.s32 $0xFFFFC000  }
0x3d: {  	s17 =	sor.u32 $0x8070, s17;
	v7 =	vld.idx.msk [tilespmem:v1+s19+$0x30 ss:$0x1], $0xffff  }
0x3e: {  	v0 =	vmov s17;
	v8 =	vld.idx.msk [tilespmem:v1+s19+$0xFFFFFFC0 ss:$0x1], $0xffff  }
0x3f: {  	v6 =	vld.idx.msk [tilespmem:v1+s19+$0xFFFFFFD0 ss:$0x1], $0xffff  }
0x40: {  	v4 =	vld.idx.msk [tilespmem:v1+s19+$0xFFFFFFE0 ss:$0x1], $0xffff  }
0x41: {  	v2 =	vld.idx.msk [tilespmem:v1+s19+$0xFFFFFFF0 ss:$0x1], $0xffff  }
0x42: {  	s31 =	sshll.u32 s13, $0xE;
	v3 =	vld.idx.msk [tilespmem:v1+s19+$0x0 ss:$0x1], $0xffff  }
0x43: {  	s17 =	sand.u32 $0x4000, s31;
	v5 =	vld.idx.msk [tilespmem:v1+s19+$0x10 ss:$0x1], $0xffff;
	[tilespmem:v0+s19+$0x0 ss:$0x1] =	vst.idx.msk $0xffff, v7  }
0x44: {  	s20 =	simm.s32 $0x400;
	s18 =	simm.s32 $0x80;
	s17 =	sor.u32 $0x8000, s17;
	[tilespmem:v0+s19+$0xFFFFFF90 ss:$0x1] =	vst.idx.msk $0xffff, v8;
	v7 =	vld.idx.msk [tilespmem:v1+s19+$0x20 ss:$0x1], $0xffff  }
.LBB1_3:
0x45: {  	p0 =	sne.s32 s20, $0xFE00;
	v8 =	vld.idx.msk [tilespmem:v1+s18+$0x30 ss:$0x1], $0xffff;
	[tilespmem:v0+s19+$0xFFFFFFA0 ss:$0x1] =	vst.idx.msk $0xffff, v6  }
0x46: {  	v9 =	vld.idx.msk [tilespmem:v1+s18+$0xFFFFFFC0 ss:$0x1], $0xffff;
	[tilespmem:v0+s19+$0xFFFFFFB0 ss:$0x1] =	vst.idx.msk $0xffff, v4  }
0x47: {  	v6 =	vld.idx.msk [tilespmem:v1+s18+$0xFFFFFFD0 ss:$0x1], $0xffff;
	[tilespmem:v0+s19+$0xFFFFFFC0 ss:$0x1] =	vst.idx.msk $0xffff, v2  }
.Ltmp3:
0x48: {  	v4 =	vld.idx.msk [tilespmem:v1+s18+$0xFFFFFFE0 ss:$0x1], $0xffff;
	[tilespmem:v0+s19+$0xFFFFFFD0 ss:$0x1] =	vst.idx.msk $0xffff, v3;
	(pc) =	sbr.rel @p0 .LBB1_3-.Ltmp3, $4  }
0x49: {  	v2 =	vld.idx.msk [tilespmem:v1+s18+$0xFFFFFFF0 ss:$0x1], $0xffff;
	[tilespmem:v0+s19+$0xFFFFFFE0 ss:$0x1] =	vst.idx.msk $0xffff, v5  }
0x4a: {  	v3 =	vld.idx.msk [tilespmem:v1+s18+$0x0 ss:$0x1], $0xffff;
	[tilespmem:v0+s19+$0xFFFFFFF0 ss:$0x1] =	vst.idx.msk $0xffff, v7;
	s19 =	smov.u32 s18  }
0x4b: {  	v5 =	vld.idx.msk [tilespmem:v1+s19+$0x10 ss:$0x1], $0xffff;
	[tilespmem:v0+s19+$0x0 ss:$0x1] =	vst.idx.msk $0xffff, v8  }
0x4c: {  	s18 =	sshra.s32 s20, $0x2;
	s20 =	sadd.s32 $0x200, s20;
	[tilespmem:v0+s19+$0xFFFFFF90 ss:$0x1] =	vst.idx.msk $0xffff, v9;
	v7 =	vld.idx.msk [tilespmem:v1+s19+$0x20 ss:$0x1], $0xffff  }
.Ltmp4:
0x4d: {  	_ = 	snop;
	(pc) =	sbr.rel .LBB1_4-.Ltmp4, $1  }
0x4e: {  	_ =	sdelay $0x3  }
.LBB1_6:
0x4f: {  	_ =	sfence.sel $0x180000  }
0x50: {  	s2 =	simm.s32 $0x1;
	[bflag:$0x0] =	sbarrier.arrive $0xFFFF  }
0x51: {  	s31 =	simm.s32 $0x2;
	[sflag:s2] =	ssyncpa.u1 $0x1  }
0x52: {  	[sflag:s31] =	ssyncpa.u1 $0x1  }
0x53: {  	p0 =	sne.s32 s0, $0x0;
	_ =	strace $0x90000047  }
0x54: {  	s0 =	sadd.s32 @!p0 $0x100000, s1;
	[bflag:$0x2] =	sbarrier.arrive $0xFFFF  }
0x55: {  	[sflag:s0] =	ssyncadd.tile.s32 @!p0 $0x1;
	_ =	shalt  }
.Lfunc_end1:
_tile_overlayer_lowered:
.L_overlay_start_2:
0x56: {  	(tag) =	ssettag $0x2  }
0x57: {  	s0 =	rddreg [dreg:$0x0];
	s2 =	stileid.u32  }
0x58: {  	s1 =	rddreg [dreg:$0x1];
	p0 =	sne.s32 s2, $0x0  }
0x59: {  	s3 =	rddreg [dreg:$0x2];
	[bflag:$0x3] =	sbarrier.arrive $0xFFFF;
	s2 =	simm.s32 @!p0 $0x1C01  }
0x5a: {  	[timem:s3], [sflag:s2] =	dma.local @!p0 [hbm:s0], s1  }
0x5b: {  	s0 =	simm.s32 @!p0 $0x1  }
0x5c: {  	_ =	swait.ge @!p0 [sflag:s0], s1  }
0x5d: {  	s1 =	ssub.s32 @!p0 $0x0, s1;
	[sflag:s0] =	ssyncset.done @!p0 $0x0  }
0x5e: {  	[sflag:s0] =	ssyncadd.s32 @!p0 s1  }
0x5f: {  	[bflag:$0x3] =	sbarrier.arrive $0xFFFF  }
0x60: {  	_ =	shalt  }

</sc_bundles>
